<compile_context>
chip_gen: v7x
topology: tpu7x:2x2x1
jax: 0.10.2.dev20260603
libtpu: 0.0.44.dev20260713+nightly
codegen_flags: <defaults>
</compile_context>

<pallas_src>
import jax
import jax.numpy as jnp
from jax import lax
from jax.experimental import pallas as pl
from jax.experimental.pallas import tpu as pltpu
from jax.experimental.pallas import tpu_sc as plsc

_B, _C, _H, _W = 16, 192, 64, 64
_BB = 2


def _sc_gather_body(n_hbm, gm_hbm, out_hbm, n_v, idx_v, rows_v, sem):
    wid = lax.axis_index("s") * 2 + lax.axis_index("c")

    @pl.when(wid < 2)
    def _():
        pltpu.sync_copy(n_hbm, n_v)
        nv = n_v[...]
        idx_v[...] = (nv - lax.rem(nv, 1.0)).astype(jnp.int32) + wid
        pltpu.async_copy(gm_hbm.at[idx_v], rows_v, sem).wait()
        pltpu.sync_copy(rows_v, out_hbm.at[wid])


_sc_gather = pl.kernel(
    _sc_gather_body,
    out_type=jax.ShapeDtypeStruct((2, _B, _C), jnp.float32),
    mesh=plsc.VectorSubcoreMesh(core_axis_name="c", subcore_axis_name="s"),
    compiler_params=pltpu.CompilerParams(use_tc_tiling_on_sc=False),
    scratch_types=[
        pltpu.VMEM((_B,), jnp.float32),
        pltpu.VMEM((_B,), jnp.int32),
        pltpu.VMEM((_B, _C), jnp.float32),
        pltpu.SemaphoreType.DMA,
    ],
)


def _gain_scale_body(n_ref, g12_ref, x_ref, o_ref):
    i = pl.program_id(0)
    gains = []
    for j in range(_BB):
        idx = _BB * i + j
        nb = n_ref[idx]
        l = nb - jnp.floor(nb)
        g1 = jnp.abs(g12_ref[0, pl.ds(idx, 1), :])
        g2 = jnp.abs(g12_ref[1, pl.ds(idx, 1), :])
        gains.append(g1 ** (1.0 - l) * g2 ** l)
    gain = jnp.concatenate(gains, axis=0)
    o_ref[...] = x_ref[...] * gain.reshape(_BB, 1, 1, _C)


def kernel(x, n, gain_matrix):
    g12 = _sc_gather(n, gain_matrix)
    xt = jnp.transpose(x, (0, 2, 3, 1))
    out = pl.pallas_call(
        _gain_scale_body,
        grid=(_B // _BB,),
        in_specs=[
            pl.BlockSpec(memory_space=pltpu.SMEM),
            pl.BlockSpec((2, _B, _C), lambda i: (0, 0, 0)),
            pl.BlockSpec((_BB, _H, _W, _C), lambda i: (i, 0, 0, 0)),
        ],
        out_specs=pl.BlockSpec((_BB, _H, _W, _C), lambda i: (i, 0, 0, 0)),
        out_shape=jax.ShapeDtypeStruct((_B, _H, _W, _C), jnp.float32),
    )(n, g12, xt)
    return jnp.transpose(out, (0, 3, 1, 2))

# --- scband reference (transcript-rebuilt; emitter-appended) ---
"""Pipeline reference for scband-gain-module-64390149702199 (READ-ONLY COPY).

The authoritative reference and input builder live on the scoring server;
editing this copy changes nothing except your own understanding.
"""

import jax, jax.numpy as jnp
import numpy as np


def setup_inputs(seed: int = 0) -> dict:
    key = jax.random.key(seed)
    k1, k2, k3 = jax.random.split(key, 3)
    x = jax.random.normal(k1, (16, 192, 64, 64), dtype=jnp.float32)
    # n in [0,1): fractional scale levels, floor(n) and floor(n)+1 are valid rows of gain_matrix
    n = jax.random.uniform(k2, (16,), dtype=jnp.float32)
    # learned parameter: gain_matrix of shape (n_scales=6, N=192); torch init is ones,
    # use random values so the computation is nontrivial
    gain_matrix = jax.random.normal(k3, (6, 192), dtype=jnp.float32)
    return {"x": x, "n": n, "gain_matrix": gain_matrix}


def reference(x, n, gain_matrix):
    # l = n - n.long(); n = n.long()
    nf = jnp.floor(n)
    l = n - nf
    ni = nf.astype(jnp.int32)
    # interpolated-gain branch; when l == 0 it reduces exactly to abs(gain1),
    # matching the torch else-branch, so it is faithful for all inputs
    gain1 = jnp.take(gain_matrix, ni, axis=0)          # [B, N]
    gain2 = jnp.take(gain_matrix, ni + 1, axis=0)      # [B, N]
    gain = jnp.abs(gain1) ** (1.0 - l)[:, None] * jnp.abs(gain2) ** l[:, None]
    reshaped_gain = gain[:, :, None, None]             # [B, N, 1, 1]
    rescaled_latent = reshaped_gain * x
    return rescaled_latent

if __name__ == "__main__":
    import jax
    _d = setup_inputs()
    print(jax.jit(kernel)(*tuple(_d.values())))

</pallas_src>

<mosaic_0001>
#map = affine_map<(d0, d1) -> (0)>
#map1 = affine_map<(d0, d1) -> (0, 0)>
#map2 = affine_map<(d0, d1) -> (0, 0, 0)>
module attributes {stable_mosaic.version = 14 : i64} {
  func.func @_sc_gather_body(%arg0: i32, %arg1: i32, %arg2: memref<16xf32, #tpu.memory_space<hbm>>, %arg3: memref<6x192xf32, #tpu.memory_space<hbm>>, %arg4: memref<2x16x192xf32, #tpu.memory_space<hbm>>, %arg5: memref<16xf32, #tpu.memory_space<vmem>>, %arg6: memref<16xi32, #tpu.memory_space<vmem>>, %arg7: memref<16x192xf32, #tpu.memory_space<vmem>>, %arg8: memref<!tpu.dma_semaphore, #tpu.memory_space<semaphore_mem>>) attributes {dimension_semantics = [#tpu.dimension_semantics<core_parallel>, #tpu.dimension_semantics<subcore_parallel>], iteration_bounds = array<i64: 2, 16>, scalar_prefetch = 0 : i64, scratch_operands = 4 : i64, tpu.core_type = #tpu.core_type<sc_vector_subcore>, window_params = [{transform_indices = #map}, {transform_indices = #map1}, {transform_indices = #map2}]} {
    %mul3A = arith.constant 2 : i32
    %mul3A_0 = arith.muli %arg1, %mul3A : i32
    %add3A = arith.addi %mul3A_0, %arg0 : i32
    %lt3A = arith.constant 2 : i32
    %lt3A_1 = arith.cmpi slt, %add3A, %lt3A : i32
    %convert_element_type3A = arith.extui %lt3A_1 : i1 to i32
    %cond3A = arith.constant 0 : i32
    %cond3A_2 = arith.cmpi ne, %convert_element_type3A, %cond3A : i32
    scf.if %cond3A_2 {
      "tpu.region"() ({
        %run_scoped3A = tpu.sem_alloc : memref<!tpu.dma_semaphore, #tpu.memory_space<semaphore_mem>>
        tpu.enqueue_dma source(%arg2 : memref<16xf32, #tpu.memory_space<hbm>>) target(%arg5 : memref<16xf32, #tpu.memory_space<vmem>>) target_semaphore(%run_scoped3A : memref<!tpu.dma_semaphore, #tpu.memory_space<semaphore_mem>>)
        tpu.wait_dma2 semaphore(%run_scoped3A : memref<!tpu.dma_semaphore, #tpu.memory_space<semaphore_mem>>) src(%arg2 : memref<16xf32, #tpu.memory_space<hbm>>) dst(%arg5 : memref<16xf32, #tpu.memory_space<vmem>>)
        tpu.yield
      }) : () -> ()
      %get3A = arith.constant 0 : index
      %get3A_3 = tpu.vector_load %arg5[%get3A] {strides = array<i32>} : memref<16xf32, #tpu.memory_space<vmem>>, vector<16xf32>,
      %get3A_4 = vector.shape_cast %get3A_3 : vector<16xf32> to vector<16xf32>
      %rem3A = arith.constant 1.000000e+00 : f32
      %rem3A_5 = vector.broadcast %rem3A : f32 to vector<16xf32>
      %rem3A_6 = arith.remf %get3A_4, %rem3A_5 : vector<16xf32>
      %sub3A = arith.subf %get3A_4, %rem3A_6 : vector<16xf32>
      %convert_element_type3A_7 = arith.fptosi %sub3A : vector<16xf32> to vector<16xi32>
      %add3A_8 = vector.broadcast %add3A : i32 to vector<16xi32>
      %add3A_9 = arith.addi %convert_element_type3A_7, %add3A_8 : vector<16xi32>
      %swap3A = arith.constant 0 : index
      %swap3A_10 = tpu.vector_load %arg6[%swap3A] {strides = array<i32>} : memref<16xi32, #tpu.memory_space<vmem>>, vector<16xi32>,
      %swap3A_11 = vector.shape_cast %swap3A_10 : vector<16xi32> to vector<16xi32>
      %swap3A_12 = vector.shape_cast %add3A_9 : vector<16xi32> to vector<16xi32>
      tpu.vector_store %arg6[%swap3A], %swap3A_12 {strides = array<i32>} : memref<16xi32, #tpu.memory_space<vmem>>, vector<16xi32>,
      %dma_start3A = arith.constant 0 : i32
      %dma_start3A_13 = arith.constant 0 : i32
      %dma_start3A_14 = tpu.memref_slice %arg3[%dma_start3A, %dma_start3A_13] : memref<6x192xf32, #tpu.memory_space<hbm>> -> memref<6x192xf32, #tpu.memory_space<hbm>>
      tpu.enqueue_indirect_dma source(%dma_start3A_14 : memref<6x192xf32, #tpu.memory_space<hbm>>) target(%arg7 : memref<16x192xf32, #tpu.memory_space<vmem>>) offsets(%arg6 : memref<16xi32, #tpu.memory_space<vmem>>) semaphore(%arg8 : memref<!tpu.dma_semaphore, #tpu.memory_space<semaphore_mem>>)
      %dma_wait3A = arith.constant 0 : i32
      %dma_wait3A_15 = arith.constant 0 : i32
      %dma_wait3A_16 = tpu.memref_slice %arg3[%dma_wait3A, %dma_wait3A_15] : memref<6x192xf32, #tpu.memory_space<hbm>> -> memref<6x192xf32, #tpu.memory_space<hbm>>
      tpu.wait_indirect_dma semaphore(%arg8 : memref<!tpu.dma_semaphore, #tpu.memory_space<semaphore_mem>>) src(%dma_wait3A_16 : memref<6x192xf32, #tpu.memory_space<hbm>>) dst(%arg7 : memref<16x192xf32, #tpu.memory_space<vmem>>)
      "tpu.region"() ({
        %run_scoped3A = tpu.sem_alloc : memref<!tpu.dma_semaphore, #tpu.memory_space<semaphore_mem>>
        %dma_start3A_17 = arith.constant 0 : i32
        %dma_start3A_18 = arith.constant 0 : i32
        %dma_start3A_19 = tpu.memref_slice %arg4[%add3A, %dma_start3A_17, %dma_start3A_18] : memref<2x16x192xf32, #tpu.memory_space<hbm>> -> memref<1x16x192xf32, #tpu.memory_space<hbm>>
        %dma_start3A_20 = tpu.memref_squeeze %dma_start3A_19 : memref<1x16x192xf32, #tpu.memory_space<hbm>> -> memref<16x192xf32, #tpu.memory_space<hbm>>
        %dma_start3A_21 = arith.constant 0 : i32
        %dma_start3A_22 = arith.constant 0 : i32
        %dma_start3A_23 = tpu.memref_slice %arg4[%add3A, %dma_start3A_21, %dma_start3A_22] : memref<2x16x192xf32, #tpu.memory_space<hbm>> -> memref<1x16x192xf32, #tpu.memory_space<hbm>>
        %dma_start3A_24 = tpu.memref_squeeze %dma_start3A_23 : memref<1x16x192xf32, #tpu.memory_space<hbm>> -> memref<16x192xf32, #tpu.memory_space<hbm>>
        tpu.enqueue_dma source(%arg7 : memref<16x192xf32, #tpu.memory_space<vmem>>) target(%dma_start3A_24 : memref<16x192xf32, #tpu.memory_space<hbm>>) target_semaphore(%run_scoped3A : memref<!tpu.dma_semaphore, #tpu.memory_space<semaphore_mem>>)
        %dma_wait3A_25 = arith.constant 0 : i32
        %dma_wait3A_26 = arith.constant 0 : i32
        %dma_wait3A_27 = tpu.memref_slice %arg4[%add3A, %dma_wait3A_25, %dma_wait3A_26] : memref<2x16x192xf32, #tpu.memory_space<hbm>> -> memref<1x16x192xf32, #tpu.memory_space<hbm>>
        %dma_wait3A_28 = tpu.memref_squeeze %dma_wait3A_27 : memref<1x16x192xf32, #tpu.memory_space<hbm>> -> memref<16x192xf32, #tpu.memory_space<hbm>>
        %dma_wait3A_29 = arith.constant 0 : i32
        %dma_wait3A_30 = arith.constant 0 : i32
        %dma_wait3A_31 = tpu.memref_slice %arg4[%add3A, %dma_wait3A_29, %dma_wait3A_30] : memref<2x16x192xf32, #tpu.memory_space<hbm>> -> memref<1x16x192xf32, #tpu.memory_space<hbm>>
        %dma_wait3A_32 = tpu.memref_squeeze %dma_wait3A_31 : memref<1x16x192xf32, #tpu.memory_space<hbm>> -> memref<16x192xf32, #tpu.memory_space<hbm>>
        tpu.wait_dma2 semaphore(%run_scoped3A : memref<!tpu.dma_semaphore, #tpu.memory_space<semaphore_mem>>) src(%arg7 : memref<16x192xf32, #tpu.memory_space<vmem>>) dst(%dma_wait3A_32 : memref<16x192xf32, #tpu.memory_space<hbm>>)
        tpu.yield
      }) : () -> ()
    } else {
    }
    return
  }
}

module attributes {stable_mosaic.version = 14 : i64} {
  func.func @_gain_scale_body(%arg0: i32, %arg1: memref<16xf32, #tpu.memory_space<smem>>, %arg2: memref<2x16x192xf32, #tpu.memory_space<vmem>>, %arg3: memref<2x64x64x192xf32, #tpu.memory_space<vmem>>, %arg4: memref<2x64x64x192xf32, #tpu.memory_space<vmem>>) attributes {dimension_semantics = [#tpu.dimension_semantics<arbitrary>], iteration_bounds = array<i64: 8>, scalar_prefetch = 0 : i64, scratch_operands = 0 : i64, tpu.core_type = #tpu.core_type<tc>, window_params = [{transform_indices = @transform_0, window_bounds = array<i64: 16>}, {pipeline_mode = #tpu.pipeline_mode<synchronous>, transform_indices = @transform_1, window_bounds = array<i64: 2, 16, 192>}, {transform_indices = @transform_2, window_bounds = array<i64: 2, 64, 64, 192>}, {transform_indices = @transform_3, window_bounds = array<i64: 2, 64, 64, 192>}]} {
    %mul3A = arith.constant 2 : i32
    %mul3A_0 = arith.muli %mul3A, %arg0 : i32
    %add3A = arith.constant 0 : i32
    %add3A_1 = arith.addi %mul3A_0, %add3A : i32
    %get3A = arith.index_cast %add3A_1 : i32 to index
    %get3A_2 = memref.load %arg1[%get3A] : memref<16xf32, #tpu.memory_space<smem>>
    %floor3A = math.floor %get3A_2 : f32
    %sub3A = arith.subf %get3A_2, %floor3A : f32
    %get3A_3 = arith.constant 0 : index
    %get3A_4 = arith.index_cast %add3A_1 : i32 to index
    %get3A_5 = arith.constant 0 : index
    %get3A_6 = vector.load %arg2[%get3A_3, %get3A_4, %get3A_5] : memref<2x16x192xf32, #tpu.memory_space<vmem>>, vector<1x1x192xf32>
    %get3A_7 = vector.shape_cast %get3A_6 : vector<1x1x192xf32> to vector<1x192xf32>
    %abs3A = math.absf %get3A_7 : vector<1x192xf32>
    %get3A_8 = arith.constant 1 : index
    %get3A_9 = arith.index_cast %add3A_1 : i32 to index
    %get3A_10 = arith.constant 0 : index
    %get3A_11 = vector.load %arg2[%get3A_8, %get3A_9, %get3A_10] : memref<2x16x192xf32, #tpu.memory_space<vmem>>, vector<1x1x192xf32>
    %get3A_12 = vector.shape_cast %get3A_11 : vector<1x1x192xf32> to vector<1x192xf32>
    %abs3A_13 = math.absf %get3A_12 : vector<1x192xf32>
    %sub3A_14 = arith.constant 1.000000e+00 : f32
    %sub3A_15 = arith.subf %sub3A_14, %sub3A : f32
    %pow3A = vector.broadcast %sub3A_15 : f32 to vector<1x192xf32>
    %pow3A_16 = math.powf %abs3A, %pow3A : vector<1x192xf32>
    %pow3A_17 = vector.broadcast %sub3A : f32 to vector<1x192xf32>
    %pow3A_18 = math.powf %abs3A_13, %pow3A_17 : vector<1x192xf32>
    %mul3A_19 = arith.mulf %pow3A_16, %pow3A_18 : vector<1x192xf32>
    %mul3A_20 = arith.constant 2 : i32
    %mul3A_21 = arith.muli %mul3A_20, %arg0 : i32
    %add3A_22 = arith.constant 1 : i32
    %add3A_23 = arith.addi %mul3A_21, %add3A_22 : i32
    %get3A_24 = arith.index_cast %add3A_23 : i32 to index
    %get3A_25 = memref.load %arg1[%get3A_24] : memref<16xf32, #tpu.memory_space<smem>>
    %floor3A_26 = math.floor %get3A_25 : f32
    %sub3A_27 = arith.subf %get3A_25, %floor3A_26 : f32
    %get3A_28 = arith.constant 0 : index
    %get3A_29 = arith.index_cast %add3A_23 : i32 to index
    %get3A_30 = arith.constant 0 : index
    %get3A_31 = vector.load %arg2[%get3A_28, %get3A_29, %get3A_30] : memref<2x16x192xf32, #tpu.memory_space<vmem>>, vector<1x1x192xf32>
    %get3A_32 = vector.shape_cast %get3A_31 : vector<1x1x192xf32> to vector<1x192xf32>
    %abs3A_33 = math.absf %get3A_32 : vector<1x192xf32>
    %get3A_34 = arith.constant 1 : index
    %get3A_35 = arith.index_cast %add3A_23 : i32 to index
    %get3A_36 = arith.constant 0 : index
    %get3A_37 = vector.load %arg2[%get3A_34, %get3A_35, %get3A_36] : memref<2x16x192xf32, #tpu.memory_space<vmem>>, vector<1x1x192xf32>
    %get3A_38 = vector.shape_cast %get3A_37 : vector<1x1x192xf32> to vector<1x192xf32>
    %abs3A_39 = math.absf %get3A_38 : vector<1x192xf32>
    %sub3A_40 = arith.constant 1.000000e+00 : f32
    %sub3A_41 = arith.subf %sub3A_40, %sub3A_27 : f32
    %pow3A_42 = vector.broadcast %sub3A_41 : f32 to vector<1x192xf32>
    %pow3A_43 = math.powf %abs3A_33, %pow3A_42 : vector<1x192xf32>
    %pow3A_44 = vector.broadcast %sub3A_27 : f32 to vector<1x192xf32>
    %pow3A_45 = math.powf %abs3A_39, %pow3A_44 : vector<1x192xf32>
    %mul3A_46 = arith.mulf %pow3A_43, %pow3A_45 : vector<1x192xf32>
    %concatenate3A = tpu.concatenate %mul3A_19, %mul3A_46 in 0 : vector<1x192xf32>, vector<1x192xf32> -> vector<2x192xf32>
    %get3A_47 = arith.constant 0 : index
    %get3A_48 = arith.constant 0 : index
    %get3A_49 = arith.constant 0 : index
    %get3A_50 = arith.constant 0 : index
    %get3A_51 = vector.load %arg3[%get3A_47, %get3A_48, %get3A_49, %get3A_50] : memref<2x64x64x192xf32, #tpu.memory_space<vmem>>, vector<2x64x64x192xf32>
    %reshape3A = vector.shape_cast %concatenate3A : vector<2x192xf32> to vector<2x1x1x192xf32>
    %mul3A_52 = vector.broadcast %reshape3A : vector<2x1x1x192xf32> to vector<2x64x64x192xf32>
    %mul3A_53 = arith.mulf %get3A_51, %mul3A_52 : vector<2x64x64x192xf32>
    %swap3A = arith.constant 0 : index
    %swap3A_54 = arith.constant 0 : index
    %swap3A_55 = arith.constant 0 : index
    %swap3A_56 = arith.constant 0 : index
    %swap3A_57 = vector.load %arg4[%swap3A, %swap3A_54, %swap3A_55, %swap3A_56] : memref<2x64x64x192xf32, #tpu.memory_space<vmem>>, vector<2x64x64x192xf32>
    tpu.vector_store %arg4[%swap3A, %swap3A_54, %swap3A_55, %swap3A_56], %mul3A_53 {strides = array<i32>} : memref<2x64x64x192xf32, #tpu.memory_space<vmem>>, vector<2x64x64x192xf32>,
    return
  }
  func.func @transform_0(%arg0: i32) -> i32 {
    %c0_i32 = arith.constant 0 : i32
    %c0_i32_0 = arith.constant 0 : i32
    return %c0_i32 : i32
  }
  func.func @transform_1(%arg0: i32) -> (i32, i32, i32) {
    %c0_i32 = arith.constant 0 : i32
    %c0_i32_0 = arith.constant 0 : i32
    %c0_i32_1 = arith.constant 0 : i32
    %c0_i32_2 = arith.constant 0 : i32
    return %c0_i32, %c0_i32_0, %c0_i32_1 : i32, i32, i32
  }
  func.func @transform_2(%arg0: i32) -> (i32, i32, i32, i32) {
    %c0_i32 = arith.constant 0 : i32
    %c0_i32_0 = arith.constant 0 : i32
    %c0_i32_1 = arith.constant 0 : i32
    %c0_i32_2 = arith.constant 0 : i32
    return %arg0, %c0_i32, %c0_i32_0, %c0_i32_1 : i32, i32, i32, i32
  }
  func.func @transform_3(%arg0: i32) -> (i32, i32, i32, i32) {
    %c0_i32 = arith.constant 0 : i32
    %c0_i32_0 = arith.constant 0 : i32
    %c0_i32_1 = arith.constant 0 : i32
    %c0_i32_2 = arith.constant 0 : i32
    return %arg0, %c0_i32, %c0_i32_0, %c0_i32_1 : i32, i32, i32, i32
  }
}

</mosaic_0001>

<sc_bundles>
// kernel: kernel.4.cloned.1.call-start
scs
__scs_entry_jumppad:
0x0: {  	(pc) =	sbr.rel $0x88, $3  }
0x1: {  	(tag) =	ssettag $0x0;
	lr =	simm.s32 $0x1  }
0x2: {  	[smem:$0x3F9E] =	sst lr;
	_ =	strace $0xD0000000  }
0x3: {  	_ = 	snop  }
0x4: {  	_ = 	snop  }
0x5: {  	_ = 	snop  }
0x6: {  	_ = 	snop  }
0x7: {  	_ = 	snop  }
__scs_overlays_trampoline_lowered:
0x8: {  	[smem:$0x3FAD] =	sst s0  }
0x9: {  	[smem:$0x3FAE] =	sst s1  }
0xa: {  	[smem:$0x3FAF] =	sst s2  }
0xb: {  	[smem:$0x3FB0] =	sst s3  }
0xc: {  	[smem:$0x3FB1] =	sst s4  }
0xd: {  	[smem:$0x3FB2] =	sst s5  }
0xe: {  	[smem:$0x3FB3] =	sst s6  }
0xf: {  	[smem:$0x3FB4] =	sst s7  }
0x10: {  	[smem:$0x3FB5] =	sst s8  }
0x11: {  	[smem:$0x3FB6] =	sst s9;
	s0 =	simm.s32 @!p0 $0x0  }
0x12: {  	s1 =	sld [smem:$0x3F9C];
	s0 =	simm.s32 @p0 $0x1  }
0x13: {  	[smem:$0x3FB7] =	sst s0;
	s0 =	simm.s32 @!p1 $0x0  }
0x14: {  	s2 =	sld [smem:$0x3F9B];
	s0 =	simm.s32 @p1 $0x1  }
0x15: {  	[smem:$0x3FB8] =	sst s0;
	s0 =	simm.s32 @!p2 $0x0  }
0x16: {  	s3 =	sld [smem:$0x3FDB];
	s0 =	simm.s32 @p2 $0x1  }
0x17: {  	s4 =	simm.s32 $0x1BF5;
	[smem:$0x3FBA] =	sst s0  }
0x18: {  	s0 =	sld [smem:$0x3F9D];
	_ =	swait.ge [sflag:s4], $0x0  }
0x19: {  	s7 =	sld [smem:$0x3F9E]  }
0x1a: {  	s8 =	sadd.s32 $0xFFFFE003, lr  }
0x1b: {  	s9 =	sadd.s32 $0xFFFFFEF7, lr;
	s5 =	simm.s32 $0xFFFFFFFF;
	p2 =	slt.u32 s8, $0xFFFFF086  }
0x1c: {  	p1 =	slt.u32 s9, $0xF7A;
	s5 =	simm.s32 @!p2 $0x0  }
0x1d: {  	s5 =	simm.s32 @p1 $0x1;
	p0 =	seq.s32 s7, s2  }
0x1e: {  	s7 =	smul.u32 @!p0 $0xF7A, s2;
	p2 =	seq.s32 @!p0 s5, $0x0  }
0x1f: {  	s9 =	smul.u32 $0xF7A, s1;
	s8 =	simm.s32 @!p0 $0x1BF5;
	p2 =	por !p2, p0  }
0x20: {  	[sflag:s8] =	ssyncset.s32 @!p0 $0xFFFFF086;
	s6 =	sadd.s32 @!p0 s3, s7;
	s7 =	simm.s32 @!p0 $0x108  }
0x21: {  	s3 =	sadd.s32 s3, s9;
	s6 =	sadd.s32 @!p0 $0x88, s6;
	s7 =	simm.s32 @p2 $0x1082  }
0x22: {  	[simem:s7], [sflag:s8] =	dma.local @!p0 [hbm:s6], $0xF7A  }
0x23: {  	s9 =	sor.u32 $0xD0000000, s2;
	s6 =	simm.s32 $0x108;
	_ =	swait.ge @!p0 [sflag:s8], $0x0  }
0x24: {  	s3 =	sadd.s32 $0x88, s3;
	s6 =	simm.s32 @!p1 $0x1082;
	[sflag:s4] =	ssyncset.s32 $0xFFFFF086  }
0x25: {  	[simem:s6], [sflag:s4] =	dma.local [hbm:s3], $0xF7A  }
0x26: {  	[smem:$0x3F9E] =	sst s1;
	(tag) =	ssettag s2;
	_ =	strace s9  }
0x27: {  	s1 =	sld [smem:$0x3FAE]  }
0x28: {  	s2 =	sld [smem:$0x3FAF]  }
0x29: {  	s4 =	sld [smem:$0x3FB1]  }
0x2a: {  	p0 =	seq.s32 s5, $0x0;
	s5 =	sld [smem:$0x3FB2]  }
0x2b: {  	s6 =	sld [smem:$0x3FB3]  }
0x2c: {  	s7 =	sld [smem:$0x3FB4]  }
0x2d: {  	s3 =	simm.s32 $0x108;
	s8 =	sld [smem:$0x3FB5]  }
0x2e: {  	s3 =	simm.s32 @!p0 $0x1082;
	s9 =	sld [smem:$0x3FB6]  }
0x2f: {  	lr =	sadd.s32 s0, s3;
	s0 =	sld [smem:$0x3FAD]  }
0x30: {  	s3 =	sld [smem:$0x3FB0]  }
0x31: {  	[smem:$0x3FB9] =	sst s10  }
0x32: {  	s10 =	sld [smem:$0x3FB7];
	_ =	sdelay $0x3  }
0x33: {  	p0 =	seq.s32 s10, $0x1;
	s10 =	sld [smem:$0x3FB9];
	_ =	sdelay $0x3  }
0x34: {  	[smem:$0x3FB9] =	sst s10  }
0x35: {  	s10 =	sld [smem:$0x3FB8];
	_ =	sdelay $0x3  }
0x36: {  	p1 =	seq.s32 s10, $0x1;
	s10 =	sld [smem:$0x3FB9];
	_ =	sdelay $0x3  }
0x37: {  	[smem:$0x3FB9] =	sst s10  }
0x38: {  	s10 =	sld [smem:$0x3FBA]  }
0x39: {  	_ = 	snop;
	(pc) =	sbr.ind lr, $3  }
0x3a: {  	_ = 	snop  }
0x3b: {  	_ = 	snop  }
0x3c: {  	p2 =	seq.s32 s10, $0x1;
	s10 =	sld [smem:$0x3FB9]  }
0x3d: {  	_ =	shalt  }
0x3e: {  	_ =	shalt  }
0x3f: {  	_ =	shalt  }
0x40: {  	_ =	shalt  }
0x41: {  	_ =	shalt  }
0x42: {  	_ =	shalt  }
0x43: {  	_ =	shalt  }
0x44: {  	_ =	shalt  }
0x45: {  	_ =	shalt  }
0x46: {  	_ =	shalt  }
0x47: {  	_ =	shalt  }
0x48: {  	_ =	shalt  }
0x49: {  	_ =	shalt  }
0x4a: {  	_ =	shalt  }
0x4b: {  	_ =	shalt  }
0x4c: {  	_ =	shalt  }
0x4d: {  	_ =	shalt  }
0x4e: {  	_ =	shalt  }
0x4f: {  	_ =	shalt  }
0x50: {  	_ =	shalt  }
0x51: {  	_ =	shalt  }
0x52: {  	_ =	shalt  }
0x53: {  	_ =	shalt  }
0x54: {  	_ =	shalt  }
0x55: {  	_ =	shalt  }
0x56: {  	_ =	shalt  }
0x57: {  	_ =	shalt  }
0x58: {  	_ =	shalt  }
0x59: {  	_ =	shalt  }
0x5a: {  	_ =	shalt  }
0x5b: {  	_ =	shalt  }
0x5c: {  	_ =	shalt  }
0x5d: {  	_ =	shalt  }
0x5e: {  	_ =	shalt  }
0x5f: {  	_ =	shalt  }
0x60: {  	_ =	shalt  }
0x61: {  	_ =	shalt  }
0x62: {  	_ =	shalt  }
0x63: {  	_ =	shalt  }
0x64: {  	_ =	shalt  }
0x65: {  	_ =	shalt  }
0x66: {  	_ =	shalt  }
0x67: {  	_ =	shalt  }
0x68: {  	_ =	shalt  }
0x69: {  	_ =	shalt  }
0x6a: {  	_ =	shalt  }
0x6b: {  	_ =	shalt  }
0x6c: {  	_ =	shalt  }
0x6d: {  	_ =	shalt  }
0x6e: {  	_ =	shalt  }
0x6f: {  	_ =	shalt  }
0x70: {  	_ =	shalt  }
0x71: {  	_ =	shalt  }
0x72: {  	_ =	shalt  }
0x73: {  	_ =	shalt  }
0x74: {  	_ =	shalt  }
0x75: {  	_ =	shalt  }
0x76: {  	_ =	shalt  }
0x77: {  	_ =	shalt  }
0x78: {  	_ =	shalt  }
0x79: {  	_ =	shalt  }
0x7a: {  	_ =	shalt  }
0x7b: {  	_ =	shalt  }
0x7c: {  	_ =	shalt  }
0x7d: {  	_ =	shalt  }
0x7e: {  	_ =	shalt  }
0x7f: {  	_ =	shalt  }
0x80: {  	_ =	shalt  }
0x81: {  	_ =	shalt  }
0x82: {  	_ =	shalt  }
0x83: {  	_ =	shalt  }
0x84: {  	_ =	shalt  }
0x85: {  	_ =	shalt  }
0x86: {  	_ =	shalt  }
0x87: {  	_ =	shalt  }
.Lfunc_end0:
.L_simem_size_0:
called_computation_lowered:
.L_overlay_start_0:
0x88: {  	s2 =	sld [smem:$0x3FD9]  }
0x89: {  	s3 =	sld [smem:$0x3FFE];
	_ =	sdelay $0x1  }
0x8a: {  	s1 =	srdreg.scid  }
0x8b: {  	s0 =	sand.u32 $0x1, s1  }
0x8c: {  	s17 =	sshll.u32 s0, $0xA;
	s2 =	sadd.s32 s3, s2  }
0x8d: {  	s2 =	sadd.s32 s2, s17  }
0x8e: {  	[smem:$0x3FC5] =	sst s2  }
0x8f: {  	_ = 	snop  }
0x90: {  	s2 =	sld [smem:$0x3FC8]  }
0x91: {  	s18 =	sld [smem:$0x3FD0];
	(tm) =	ssettm $0x1  }
0x92: {  	s4 =	sld [smem:$0x3FFB];
	_ =	sdelay $0x3  }
0x93: {  	_ =	strace s4  }
0x94: {  	s4 =	sld [smem:$0x3FFC];
	_ =	sdelay $0x3  }
0x95: {  	_ =	strace s4  }
0x96: {  	s4 =	sld [smem:$0x3FFD];
	_ =	sdelay $0x3  }
0x97: {  	_ =	strace s4  }
0x98: {  	_ =	strace $0x8FFFFFFF  }
0x99: {  	s19 =	sld [smem:$0x3FDB];
	_ =	sdelay $0x1  }
0x9a: {  	s5 =	simm.s32 $_scs_section_size  }
0x9b: {  	s6 =	simm.s32 $_size__tile_overlayer_lowered;
	s7 =	simm.s32 $_tile_overlayer_lowered  }
0x9c: {  	s22 =	simm.s32 $0x1BFF;
	s21 =	sshll.u32 s7, $0x1;
	s4 =	sadd.s32 s5, s19  }
0x9d: {  	s8 =	simm.s32 $0x0;
	s20 =	sshll.u32 s6, $0x1;
	s6 =	sadd.s32 s21, s4  }
0x9e: {  	[timem:s8], [sflag:s22] =	dma.local [hbm:s6], s20  }
0x9f: {  	_ =	swait.ge [sflag:s22], s20  }
0xa0: {  	s5 =	ssub.s32 $0x0, s20;
	[sflag:s22] =	ssyncset.done $0x0  }
0xa1: {  	[sflag:s22] =	ssyncadd.s32 s5;
	_ =	sdelay $0x1  }
0xa2: {  	s23 =	simm.s32 $0x1B8B  }
0xa3: {  	_ =	swait.ge [sflag:s23], $0x1  }
0xa4: {  	[sflag:s23] =	ssyncset.done $0x0  }
0xa5: {  	s25 =	simm.s32 $0x1B8E;
	s24 =	sld [smem:$0x3FFE];
	[sflag:s23] =	ssyncadd.s32 $0xFFFFFFFF  }
0xa6: {  	s26 =	simm.s32 $execute0_lowered;
	[smem:$0x3FD2] =	sst s25  }
0xa7: {  	s6 =	sshll.u32 s26, $0x1;
	_ =	strace $0x80000046;
	[dreg:$0x1] =	wrdreg $0xFFFFFFFF  }
0xa8: {  	s28 =	simm.s32 $_size_execute0_lowered;
	s4 =	sadd.s32 s4, s6;
	[dreg:$0x0] =	wrdreg $0x0  }
0xa9: {  	s6 =	sshll.u32 s28, $0x1;
	[dreg:$0x2] =	wrdreg s4  }
0xaa: {  	[dreg:$0x3] =	wrdreg s6  }
0xab: {  	[dreg:$0x4] =	wrdreg $0xC0  }
0xac: {  	_ =	task [dreg:s8], $0x5FFFF  }
0xad: {  	[dreg:$0x1] =	wrdreg $0xFFFFFFFF  }
0xae: {  	[dreg:$0x0] =	wrdreg $0x60  }
0xaf: {  	[dreg:$0x2] =	wrdreg s2  }
0xb0: {  	[dreg:$0x3] =	wrdreg s24  }
0xb1: {  	[dreg:$0x4] =	wrdreg s18  }
0xb2: {  	[dreg:$0x5] =	wrdreg $0x9  }
0xb3: {  	_ =	task.clear_ibuf [dreg:s8], $0x6FFFF;
	_ =	strace $0x90000046  }
0xb4: {  	s29 =	simm.s32 $0x9;
	_ =	strace $0x80000048  }
0xb5: {  	_ =	swait.ge [sflag:s29], $0x1  }
0xb6: {  	[sflag:s29] =	ssyncadd.s32 $0xFFFFFFFF  }
0xb7: {  	_ =	strace $0x90000048  }
0xb8: {  	_ =	sfence  }
0xb9: {  	s30 =	sld [smem:$0x0];
	_ =	sdelay $0x2  }
0xba: {  	s31 =	sshll.u32 s1, $0xD;
	s1 =	sshrl.u32 s1, $0x2  }
0xbb: {  	s3 =	sand.u32 $0x4000, s31;
	s1 =	sadd.s32 s1, s30  }
0xbc: {  	s0 =	sor.u32 s3, s0;
	s1 =	sshll.u32 s1, $0x11  }
0xbd: {  	s0 =	sor.u32 s1, s0  }
0xbe: {  	s0 =	sadd.s32 $0x8F2B, s0  }
0xbf: {  	[sflag:s0] =	ssyncadd.remote.s32 $0x1  }
0xc0: {  	_ =	sfence.sel $0xFFFF  }
0xc1: {  	[dreg:$0x0] =	wrdreg $0xFFFFFFFF;
	(pc) =	sbr.abs _section_cstart, $3  }
0xc2: {  	[dreg:$0x1] =	wrdreg $0xFFFFFFFF  }
0xc3: {  	_ =	task.clear_ibuf [dreg:s8], $0x2FFFF;
	_ =	strace $0x9FFFFFFF  }
0xc4: {  	(tm) =	ssettm $0x7FFFFFFF  }
0xc5: {  	_ =	shalt  }
tec
execute0_lowered:
.L_overlay_start_1:
0x0: {  	(tag) =	ssettag $0x1  }
0x1: {  	s1 =	rddreg [dreg:$0x0]  }
0x2: {  	s4 =	rddreg [dreg:$0x1]  }
0x3: {  	s8 =	rddreg [dreg:$0x2];
	s2 =	simm.s32 $0x0  }
0x4: {  	[smem:$0x7FF] =	sst s2  }
0x5: {  	s0 =	rddreg [dreg:$0x3];
	v0 =	vimm.f32 $1.000000000e+00;
	_ =	strace $0x80000047  }
0x6: {  	(erf) = vrcp.f32 v0;
	_ =	sdelay $0x2  }
0x7: {  	s5 =	stileid.u32  }
0x8: {  	p0 =	sne.s32 s5, $0x0  }
.Ltmp0:
0x9: {  	_ = 	snop;
	(pc) =	sbr.rel @p0 .LBB2_4-.Ltmp0, $2  }
0xa: {  	_ =	sdelay $0x2  }
0xb: {  	v0 =	vpop (erf)  }
0xc: {  	s3 =	simm.s32 $0x2  }
0xd: {  	[tilespmem:s2], [sflag:$0x2] =	stream.linear.gather [hbm4b:s1+s2], $0x10, $0x38;
	[tilespmem:$0xC20] =	vst v63  }
0xe: {  	_ =	swait.ge [sflag:s3], $0x10  }
0xf: {  	[sflag:s3] =	ssyncset.done $0x0  }
0x10: {  	[sflag:s3] =	ssyncadd.s32 $0xFFFFFFF0  }
0x11: {  	v1 =	vld [tilespmem:$0x0];
	_ =	sdelay $0x4  }
0x12: {  	v2 =	vand.u32 $0x7FFFFFFF, v1  }
0x13: {  	v3 =	vmul.f32 v2, v0;
	_ =	sdelay $0x1  }
0x14: {  	v3 =	vfloor.f32 v3  }
0x15: {  	v2 =	vsub.f32 v2, v3;
	_ =	sdelay $0x1  }
0x16: {  	vm0 =	veq.f32 v2, $1.000000000e+00  }
0x17: {  	v2 =	vsel vm0, $0x0, v2  }
0x18: {  	v3 =	vand.u32 $0x80000000, v1;
	v2 =	vand.u32 $0x7FFFFFFF, v2  }
0x19: {  	v2 =	vor.u32 v3, v2  }
0x1a: {  	v1 =	vsub.f32 v1, v2  }
0x1b: {  	s6 =	srdreg.scid  }
0x1c: {  	s5 =	sshll.u32 s5, $0x1;
	s6 =	sand.u32 $0x1, s6;
	v1 =	vtrunc.f32 v1  }
0x1d: {  	s9 =	sor.u32 s6, s5;
	s10 =	ssub.s32 $0x2, s6;
	v2 =	vcvt.f32.s32 v1  }
0x1e: {  	s11 =	sshrl.u32 s10, $0x1;
	v1 =	vmov s9  }
0x1f: {  	s4 =	sadd.s32 $0x600, s4;
	s7 =	simm.s32 $0x1;
	s10 =	ssub.s32 s10, s11;
	v2 =	vadd.s32 v2, v1  }
0x20: {  	s5 =	simm.s32 $0x10;
	s6 =	simm.s32 $0x20;
	s31 =	smax.u32 s10, $0x1;
	[tilespmem:$0x10] =	vst v2  }
0x21: {  	[tilespmem:s6], [sflag:$0x1] =	stream.indirect.gather [hbm4b:s4+s5], $0xC0, s5, s5, $0xb8;
	[tilespmem:$0xC20] =	vst v63  }
0x22: {  	p1 =	sne.s32 s31, $0x1;
	s9 =	smul.u32 $0x180, s9;
	_ =	swait.ge [sflag:s7], $0xC00  }
.Ltmp1:
0x23: {  	[sflag:s7] =	ssyncset.done $0x0;
	(pc) =	sbr.rel @!p1 .LBB2_3-.Ltmp1, $4  }
0x24: {  	s8 =	sadd.s32 s8, s9;
	[sflag:s7] =	ssyncadd.s32 $0xFFFFF400  }
0x25: {  	[hbm4b:s8+s2] =	stream.linear.scatter [tilespmem:s6], [sflag:$0x2], $0xC00, $0x38;
	[tilespmem:$0xC20] =	vst v63  }
0x26: {  	_ =	swait.ge [sflag:s3], $0xC00  }
0x27: {  	s9 =	sadd.s32 $0xFFFFFFFF, s31;
	[sflag:s3] =	ssyncset.done $0x0  }
.LBB2_2:
0x28: {  	p1 =	sne.s32 s9, $0x1;
	s9 =	sadd.s32 $0xFFFFFFFF, s9;
	[sflag:s3] =	ssyncadd.s32 $0xFFFFF400  }
0x29: {  	[tilespmem:s2], [sflag:$0x2] =	stream.linear.gather [hbm4b:s1+s2], $0x10, $0x38;
	[tilespmem:$0xC20] =	vst v63  }
0x2a: {  	_ =	swait.ge [sflag:s3], $0x10  }
0x2b: {  	[sflag:s3] =	ssyncset.done $0x0  }
0x2c: {  	[sflag:s3] =	ssyncadd.s32 $0xFFFFFFF0  }
0x2d: {  	v2 =	vld [tilespmem:$0x0];
	_ =	sdelay $0x4  }
0x2e: {  	v3 =	vand.u32 $0x7FFFFFFF, v2  }
0x2f: {  	v4 =	vmul.f32 v3, v0;
	_ =	sdelay $0x1  }
0x30: {  	v4 =	vfloor.f32 v4  }
0x31: {  	v3 =	vsub.f32 v3, v4;
	_ =	sdelay $0x1  }
0x32: {  	vm0 =	veq.f32 v3, $1.000000000e+00  }
0x33: {  	v3 =	vsel vm0, $0x0, v3  }
0x34: {  	v4 =	vand.u32 $0x80000000, v2;
	v3 =	vand.u32 $0x7FFFFFFF, v3  }
0x35: {  	v3 =	vor.u32 v4, v3  }
0x36: {  	v2 =	vsub.f32 v2, v3;
	_ =	sdelay $0x1  }
0x37: {  	v2 =	vtrunc.f32 v2  }
0x38: {  	v2 =	vcvt.f32.s32 v2;
	_ =	sdelay $0x1  }
0x39: {  	v2 =	vadd.s32 v2, v1  }
0x3a: {  	[tilespmem:$0x10] =	vst v2  }
0x3b: {  	[tilespmem:s6], [sflag:$0x1] =	stream.indirect.gather [hbm4b:s4+s5], $0xC0, s5, s5, $0xb8;
	[tilespmem:$0xC20] =	vst v63  }
0x3c: {  	_ =	swait.ge [sflag:s7], $0xC00  }
.Ltmp2:
0x3d: {  	[sflag:s7] =	ssyncset.done $0x0;
	(pc) =	sbr.rel @p1 .LBB2_2-.Ltmp2, $4  }
0x3e: {  	[sflag:s7] =	ssyncadd.s32 $0xFFFFF400  }
0x3f: {  	[hbm4b:s8+s2] =	stream.linear.scatter [tilespmem:s6], [sflag:$0x2], $0xC00, $0x38;
	[tilespmem:$0xC20] =	vst v63  }
0x40: {  	_ =	swait.ge [sflag:s3], $0xC00  }
0x41: {  	[sflag:s3] =	ssyncset.done $0x0  }
.LBB2_3:
0x42: {  	[sflag:s3] =	ssyncadd.s32 $0xFFFFF400  }
.LBB2_4:
0x43: {  	_ =	sfence.sel $0x180000  }
0x44: {  	[bflag:$0x0] =	sbarrier.arrive $0xFFFF  }
0x45: {  	_ =	strace $0x90000047  }
0x46: {  	s0 =	sadd.s32 @!p0 $0x100000, s0;
	[bflag:$0x2] =	sbarrier.arrive $0xFFFF  }
0x47: {  	[sflag:s0] =	ssyncadd.tile.s32 @!p0 $0x1;
	_ =	shalt  }
.Lfunc_end2:
_tile_overlayer_lowered:
.L_overlay_start_2:
0x48: {  	(tag) =	ssettag $0x2  }
0x49: {  	s0 =	rddreg [dreg:$0x0];
	s2 =	stileid.u32  }
0x4a: {  	s1 =	rddreg [dreg:$0x1];
	p0 =	sne.s32 s2, $0x0  }
0x4b: {  	s3 =	rddreg [dreg:$0x2];
	[bflag:$0x3] =	sbarrier.arrive $0xFFFF;
	s2 =	simm.s32 @!p0 $0x1C02  }
0x4c: {  	[timem:s3], [sflag:s2] =	dma.local @!p0 [hbm:s0], s1  }
0x4d: {  	s0 =	simm.s32 @!p0 $0x2  }
0x4e: {  	_ =	swait.ge @!p0 [sflag:s0], s1  }
0x4f: {  	s1 =	ssub.s32 @!p0 $0x0, s1;
	[sflag:s0] =	ssyncset.done @!p0 $0x0  }
0x50: {  	[sflag:s0] =	ssyncadd.s32 @!p0 s1  }
0x51: {  	[bflag:$0x3] =	sbarrier.arrive $0xFFFF  }
0x52: {  	_ =	shalt  }

</sc_bundles>
